<compile_context>
chip_gen: v7x
topology: tpu7x:2x2x1
jax: 0.10.2.dev20260603
libtpu: 0.0.44.dev20260713+nightly
codegen_flags: <defaults>
</compile_context>

<pallas_src>
import functools

import jax
import jax.numpy as jnp
import numpy as np
from jax import lax
from jax.experimental import pallas as pl
from jax.experimental.pallas import tpu as pltpu
from jax.experimental.pallas import tpu_sc as plsc

NUM_CHANNELS = 128
NUM_BREAKPOINTS = 101
NUM_SEG = NUM_BREAKPOINTS - 1
TAB = NUM_CHANNELS * NUM_SEG
B, C, L = 8, NUM_CHANNELS, 16384
ROWS = B * C
NUM_WORKERS = 32
ROWS_PER_W = ROWS // NUM_WORKERS
VECS = L // 16

INV_H = np.float32(NUM_SEG / 6.0)
OFF = np.float32(NUM_SEG / 2.0)


def _pwl_sc(xr2d, xi2d, ab):
    mesh = plsc.VectorSubcoreMesh(core_axis_name="c", subcore_axis_name="s")

    @functools.partial(
        pl.kernel,
        mesh=mesh,
        out_type=(
            jax.ShapeDtypeStruct((ROWS, L), jnp.float32),
            jax.ShapeDtypeStruct((ROWS, L), jnp.float32),
        ),
        scratch_types=[
            pltpu.VMEM((2 * TAB,), jnp.float32),
            pltpu.VMEM((L,), jnp.float32),
            pltpu.VMEM((L,), jnp.float32),
            pltpu.VMEM((L,), jnp.float32),
            pltpu.VMEM((L,), jnp.float32),
        ],
        compiler_params=pltpu.CompilerParams(needs_layout_passes=False),
    )
    def k(xr_hbm, xi_hbm, ab_hbm, yr_hbm, yi_hbm, ab_v, xr_v, xi_v, or_v, oi_v):
        wid = lax.axis_index("s") * 2 + lax.axis_index("c")
        pltpu.sync_copy(ab_hbm, ab_v)
        base_row = wid * ROWS_PER_W

        def row_body(j, _):
            r = base_row + j
            tab_base = lax.rem(r, NUM_CHANNELS) * NUM_SEG
            pltpu.sync_copy(xr_hbm.at[r], xr_v)
            pltpu.sync_copy(xi_hbm.at[r], xi_v)

            @plsc.parallel_loop(0, VECS, unroll=8)
            def vec_body(i):
                xr = xr_v[pl.ds(i * 16, 16)]
                xi = xi_v[pl.ds(i * 16, 16)]
                tr = jnp.maximum(jnp.minimum(xr * INV_H + OFF, 99.0), 0.0)
                ti = jnp.maximum(jnp.minimum(xi * INV_H + OFF, 99.0), 0.0)
                sr = tr.astype(jnp.int32) + tab_base
                si = ti.astype(jnp.int32) + tab_base
                ar = plsc.load_gather(ab_v, [sr])
                br = plsc.load_gather(ab_v, [sr + TAB])
                ai = plsc.load_gather(ab_v, [si])
                bi = plsc.load_gather(ab_v, [si + TAB])
                or_v[pl.ds(i * 16, 16)] = ar * xr + br
                oi_v[pl.ds(i * 16, 16)] = ai * xi + bi

            pltpu.sync_copy(or_v, yr_hbm.at[r])
            pltpu.sync_copy(oi_v, yi_hbm.at[r])
            return 0

        lax.fori_loop(0, ROWS_PER_W, row_body, 0)

    return k(xr2d, xi2d, ab)


@jax.jit
def kernel(x_real, x_imag, xp, yp):
    a = (yp[:, 1:] - yp[:, :-1]) / (xp[:, 1:] - xp[:, :-1])
    b = yp[:, :-1] - a * xp[:, :-1]
    ab = jnp.concatenate([a.reshape(-1), b.reshape(-1)])
    yr, yi = _pwl_sc(x_real.reshape(ROWS, L), x_imag.reshape(ROWS, L), ab)
    return jax.lax.complex(yr.reshape(B, C, L), yi.reshape(B, C, L))

# --- scband reference (transcript-rebuilt; emitter-appended) ---
"""Pipeline reference for scband-nonlinear-layer-52020643889747 (READ-ONLY COPY).

The authoritative reference and input builder live on the scoring server;
editing this copy changes nothing except your own understanding.
"""

import jax, jax.numpy as jnp
import numpy as np

NUM_CHANNELS = 128
NUM_BREAKPOINTS = 101


def setup_inputs(seed: int = 0) -> dict:
    key = jax.random.key(seed)
    k1, k2, k3 = jax.random.split(key, 3)
    B, C, L = 8, NUM_CHANNELS, 16384
    x_real = jax.random.normal(k1, (B, C, L), dtype=jnp.float32)
    x_imag = jax.random.normal(k2, (B, C, L), dtype=jnp.float32)
    # Learnable per-channel piecewise-linear function: sorted breakpoint
    # x-positions xp[C, K] and corresponding y-values yp[C, K].
    xp = jnp.broadcast_to(
        jnp.linspace(-3.0, 3.0, NUM_BREAKPOINTS, dtype=jnp.float32),
        (C, NUM_BREAKPOINTS),
    ).copy()
    yp = jax.random.normal(k3, (C, NUM_BREAKPOINTS), dtype=jnp.float32)
    return {"x_real": x_real, "x_imag": x_imag, "xp": xp, "yp": yp}


def _pwl(x, xp, yp):
    # x: [B, C, L]; xp, yp: [C, K] with xp sorted along K.
    K = xp.shape[1]

    def per_channel(xc, xpc, ypc):
        # xc: [B, L]; xpc, ypc: [K]
        idx = jnp.clip(jnp.searchsorted(xpc, xc), 1, K - 1)
        x0 = jnp.take(xpc, idx - 1)
        x1 = jnp.take(xpc, idx)
        y0 = jnp.take(ypc, idx - 1)
        y1 = jnp.take(ypc, idx)
        slope = (y1 - y0) / (x1 - x0)
        # Linear interpolation inside, linear extrapolation outside (edge segments).
        return y0 + slope * (xc - x0)

    return jax.vmap(per_channel, in_axes=(1, 0, 0), out_axes=1)(x, xp, yp)


def reference(x_real, x_imag, xp, yp):
    # Apply the same per-channel PWL to real and imaginary parts, then
    # recombine into a complex output (as torch.complex in the original).
    y_real = _pwl(x_real, xp, yp)
    y_imag = _pwl(x_imag, xp, yp)
    return jax.lax.complex(y_real, y_imag)

if __name__ == "__main__":
    import jax
    _d = setup_inputs()
    print(jax.jit(kernel)(*tuple(_d.values())))

</pallas_src>

<mosaic_0001>
#map = affine_map<(d0, d1) -> (0, 0)>
#map1 = affine_map<(d0, d1) -> (0)>
module attributes {stable_mosaic.version = 14 : i64} {
  func.func @k(%arg0: i32, %arg1: i32, %arg2: memref<1024x16384xf32, #tpu.memory_space<hbm>>, %arg3: memref<1024x16384xf32, #tpu.memory_space<hbm>>, %arg4: memref<25600xf32, #tpu.memory_space<hbm>>, %arg5: memref<1024x16384xf32, #tpu.memory_space<hbm>>, %arg6: memref<1024x16384xf32, #tpu.memory_space<hbm>>, %arg7: memref<25600xf32, #tpu.memory_space<vmem>>, %arg8: memref<16384xf32, #tpu.memory_space<vmem>>, %arg9: memref<16384xf32, #tpu.memory_space<vmem>>, %arg10: memref<16384xf32, #tpu.memory_space<vmem>>, %arg11: memref<16384xf32, #tpu.memory_space<vmem>>) attributes {dimension_semantics = [#tpu.dimension_semantics<core_parallel>, #tpu.dimension_semantics<subcore_parallel>], iteration_bounds = array<i64: 2, 16>, scalar_prefetch = 0 : i64, scratch_operands = 5 : i64, tpu.core_type = #tpu.core_type<sc_vector_subcore>, window_params = [{transform_indices = #map}, {transform_indices = #map}, {transform_indices = #map1}, {transform_indices = #map}, {transform_indices = #map}]} {
    %mul3A = arith.constant 2 : i32
    %mul3A_0 = arith.muli %arg1, %mul3A : i32
    %add3A = arith.addi %mul3A_0, %arg0 : i32
    "tpu.region"() ({
      %run_scoped3A = tpu.sem_alloc : memref<!tpu.dma_semaphore, #tpu.memory_space<semaphore_mem>>
      tpu.enqueue_dma source(%arg4 : memref<25600xf32, #tpu.memory_space<hbm>>) target(%arg7 : memref<25600xf32, #tpu.memory_space<vmem>>) target_semaphore(%run_scoped3A : memref<!tpu.dma_semaphore, #tpu.memory_space<semaphore_mem>>)
      tpu.wait_dma2 semaphore(%run_scoped3A : memref<!tpu.dma_semaphore, #tpu.memory_space<semaphore_mem>>) src(%arg4 : memref<25600xf32, #tpu.memory_space<hbm>>) dst(%arg7 : memref<25600xf32, #tpu.memory_space<vmem>>)
      tpu.yield
    }) : () -> ()
    %mul3A_1 = arith.constant 32 : i32
    %mul3A_2 = arith.muli %add3A, %mul3A_1 : i32
    %scan3A = arith.constant 0 : i32
    %scan3A_3 = arith.constant 0 : i32
    %scan3A_4 = arith.constant 32 : i32
    %scan3A_5 = arith.addi %scan3A_3, %scan3A_4 : i32
    %scan3A_6 = arith.constant 1 : i32
    %scan3A_7 = scf.for %scan3A_9 = %scan3A_3 to %scan3A_5 step %scan3A_6 iter_args(%scan3A_10 = %scan3A) -> (i32)  : i32 {
      %add3A_11 = arith.addi %mul3A_2, %scan3A_9 : i32
      %rem3A = arith.constant 128 : i32
      %rem3A_12 = arith.remsi %add3A_11, %rem3A : i32
      %mul3A_13 = arith.constant 100 : i32
      %mul3A_14 = arith.muli %rem3A_12, %mul3A_13 : i32
      "tpu.region"() ({
        %run_scoped3A = tpu.sem_alloc : memref<!tpu.dma_semaphore, #tpu.memory_space<semaphore_mem>>
        %dma_start3A = arith.constant 0 : i32
        %dma_start3A_18 = tpu.memref_slice %arg2[%add3A_11, %dma_start3A] : memref<1024x16384xf32, #tpu.memory_space<hbm>> -> memref<1x16384xf32, #tpu.memory_space<hbm>>
        %dma_start3A_19 = tpu.memref_squeeze %dma_start3A_18 : memref<1x16384xf32, #tpu.memory_space<hbm>> -> memref<16384xf32, #tpu.memory_space<hbm>>
        %dma_start3A_20 = arith.constant 0 : i32
        %dma_start3A_21 = tpu.memref_slice %arg2[%add3A_11, %dma_start3A_20] : memref<1024x16384xf32, #tpu.memory_space<hbm>> -> memref<1x16384xf32, #tpu.memory_space<hbm>>
        %dma_start3A_22 = tpu.memref_squeeze %dma_start3A_21 : memref<1x16384xf32, #tpu.memory_space<hbm>> -> memref<16384xf32, #tpu.memory_space<hbm>>
        tpu.enqueue_dma source(%dma_start3A_22 : memref<16384xf32, #tpu.memory_space<hbm>>) target(%arg8 : memref<16384xf32, #tpu.memory_space<vmem>>) target_semaphore(%run_scoped3A : memref<!tpu.dma_semaphore, #tpu.memory_space<semaphore_mem>>)
        %dma_wait3A = arith.constant 0 : i32
        %dma_wait3A_23 = tpu.memref_slice %arg2[%add3A_11, %dma_wait3A] : memref<1024x16384xf32, #tpu.memory_space<hbm>> -> memref<1x16384xf32, #tpu.memory_space<hbm>>
        %dma_wait3A_24 = tpu.memref_squeeze %dma_wait3A_23 : memref<1x16384xf32, #tpu.memory_space<hbm>> -> memref<16384xf32, #tpu.memory_space<hbm>>
        %dma_wait3A_25 = arith.constant 0 : i32
        %dma_wait3A_26 = tpu.memref_slice %arg2[%add3A_11, %dma_wait3A_25] : memref<1024x16384xf32, #tpu.memory_space<hbm>> -> memref<1x16384xf32, #tpu.memory_space<hbm>>
        %dma_wait3A_27 = tpu.memref_squeeze %dma_wait3A_26 : memref<1x16384xf32, #tpu.memory_space<hbm>> -> memref<16384xf32, #tpu.memory_space<hbm>>
        tpu.wait_dma2 semaphore(%run_scoped3A : memref<!tpu.dma_semaphore, #tpu.memory_space<semaphore_mem>>) src(%dma_wait3A_27 : memref<16384xf32, #tpu.memory_space<hbm>>) dst(%arg8 : memref<16384xf32, #tpu.memory_space<vmem>>)
        tpu.yield
      }) : () -> ()
      "tpu.region"() ({
        %run_scoped3A = tpu.sem_alloc : memref<!tpu.dma_semaphore, #tpu.memory_space<semaphore_mem>>
        %dma_start3A = arith.constant 0 : i32
        %dma_start3A_18 = tpu.memref_slice %arg3[%add3A_11, %dma_start3A] : memref<1024x16384xf32, #tpu.memory_space<hbm>> -> memref<1x16384xf32, #tpu.memory_space<hbm>>
        %dma_start3A_19 = tpu.memref_squeeze %dma_start3A_18 : memref<1x16384xf32, #tpu.memory_space<hbm>> -> memref<16384xf32, #tpu.memory_space<hbm>>
        %dma_start3A_20 = arith.constant 0 : i32
        %dma_start3A_21 = tpu.memref_slice %arg3[%add3A_11, %dma_start3A_20] : memref<1024x16384xf32, #tpu.memory_space<hbm>> -> memref<1x16384xf32, #tpu.memory_space<hbm>>
        %dma_start3A_22 = tpu.memref_squeeze %dma_start3A_21 : memref<1x16384xf32, #tpu.memory_space<hbm>> -> memref<16384xf32, #tpu.memory_space<hbm>>
        tpu.enqueue_dma source(%dma_start3A_22 : memref<16384xf32, #tpu.memory_space<hbm>>) target(%arg9 : memref<16384xf32, #tpu.memory_space<vmem>>) target_semaphore(%run_scoped3A : memref<!tpu.dma_semaphore, #tpu.memory_space<semaphore_mem>>)
        %dma_wait3A = arith.constant 0 : i32
        %dma_wait3A_23 = tpu.memref_slice %arg3[%add3A_11, %dma_wait3A] : memref<1024x16384xf32, #tpu.memory_space<hbm>> -> memref<1x16384xf32, #tpu.memory_space<hbm>>
        %dma_wait3A_24 = tpu.memref_squeeze %dma_wait3A_23 : memref<1x16384xf32, #tpu.memory_space<hbm>> -> memref<16384xf32, #tpu.memory_space<hbm>>
        %dma_wait3A_25 = arith.constant 0 : i32
        %dma_wait3A_26 = tpu.memref_slice %arg3[%add3A_11, %dma_wait3A_25] : memref<1024x16384xf32, #tpu.memory_space<hbm>> -> memref<1x16384xf32, #tpu.memory_space<hbm>>
        %dma_wait3A_27 = tpu.memref_squeeze %dma_wait3A_26 : memref<1x16384xf32, #tpu.memory_space<hbm>> -> memref<16384xf32, #tpu.memory_space<hbm>>
        tpu.wait_dma2 semaphore(%run_scoped3A : memref<!tpu.dma_semaphore, #tpu.memory_space<semaphore_mem>>) src(%dma_wait3A_27 : memref<16384xf32, #tpu.memory_space<hbm>>) dst(%arg9 : memref<16384xf32, #tpu.memory_space<vmem>>)
        tpu.yield
      }) : () -> ()
      %parallel_loop3A = arith.constant 0 : i32
      %parallel_loop3A_15 = arith.constant 1024 : i32
      %parallel_loop3A_16 = arith.constant 1 : i32
      scf.for %parallel_loop3A_18 = %parallel_loop3A to %parallel_loop3A_15 step %parallel_loop3A_16  : i32 {
        %parallel_loop3A_19 = arith.constant 16 : i32
        %parallel_loop3A_20 = arith.muli %parallel_loop3A_18, %parallel_loop3A_19 : i32
        %parallel_loop3A_21 = arith.index_cast %parallel_loop3A_20 : i32 to index
        %parallel_loop3A_22 = tpu.vector_load %arg8[%parallel_loop3A_21] {strides = array<i32>} : memref<16384xf32, #tpu.memory_space<vmem>>, vector<16xf32>,
        %parallel_loop3A_23 = arith.constant 16 : i32
        %parallel_loop3A_24 = arith.muli %parallel_loop3A_18, %parallel_loop3A_23 : i32
        %parallel_loop3A_25 = arith.index_cast %parallel_loop3A_24 : i32 to index
        %parallel_loop3A_26 = tpu.vector_load %arg9[%parallel_loop3A_25] {strides = array<i32>} : memref<16384xf32, #tpu.memory_space<vmem>>, vector<16xf32>,
        %parallel_loop3A_27 = arith.constant 16.666666 : f32
        %parallel_loop3A_28 = vector.broadcast %parallel_loop3A_27 : f32 to vector<16xf32>
        %parallel_loop3A_29 = arith.mulf %parallel_loop3A_22, %parallel_loop3A_28 : vector<16xf32>
        %parallel_loop3A_30 = arith.constant 5.000000e+01 : f32
        %parallel_loop3A_31 = vector.broadcast %parallel_loop3A_30 : f32 to vector<16xf32>
        %parallel_loop3A_32 = arith.addf %parallel_loop3A_29, %parallel_loop3A_31 : vector<16xf32>
        %parallel_loop3A_33 = arith.constant 9.900000e+01 : f32
        %parallel_loop3A_34 = vector.broadcast %parallel_loop3A_33 : f32 to vector<16xf32>
        %parallel_loop3A_35 = arith.minimumf %parallel_loop3A_32, %parallel_loop3A_34 : vector<16xf32>
        %parallel_loop3A_36 = arith.constant 0.000000e+00 : f32
        %parallel_loop3A_37 = vector.broadcast %parallel_loop3A_36 : f32 to vector<16xf32>
        %parallel_loop3A_38 = arith.maximumf %parallel_loop3A_35, %parallel_loop3A_37 : vector<16xf32>
        %parallel_loop3A_39 = arith.constant 16.666666 : f32
        %parallel_loop3A_40 = vector.broadcast %parallel_loop3A_39 : f32 to vector<16xf32>
        %parallel_loop3A_41 = arith.mulf %parallel_loop3A_26, %parallel_loop3A_40 : vector<16xf32>
        %parallel_loop3A_42 = arith.constant 5.000000e+01 : f32
        %parallel_loop3A_43 = vector.broadcast %parallel_loop3A_42 : f32 to vector<16xf32>
        %parallel_loop3A_44 = arith.addf %parallel_loop3A_41, %parallel_loop3A_43 : vector<16xf32>
        %parallel_loop3A_45 = arith.constant 9.900000e+01 : f32
        %parallel_loop3A_46 = vector.broadcast %parallel_loop3A_45 : f32 to vector<16xf32>
        %parallel_loop3A_47 = arith.minimumf %parallel_loop3A_44, %parallel_loop3A_46 : vector<16xf32>
        %parallel_loop3A_48 = arith.constant 0.000000e+00 : f32
        %parallel_loop3A_49 = vector.broadcast %parallel_loop3A_48 : f32 to vector<16xf32>
        %parallel_loop3A_50 = arith.maximumf %parallel_loop3A_47, %parallel_loop3A_49 : vector<16xf32>
        %parallel_loop3A_51 = arith.fptosi %parallel_loop3A_38 : vector<16xf32> to vector<16xi32>
        %parallel_loop3A_52 = vector.broadcast %mul3A_14 : i32 to vector<16xi32>
        %parallel_loop3A_53 = arith.addi %parallel_loop3A_51, %parallel_loop3A_52 : vector<16xi32>
        %parallel_loop3A_54 = arith.fptosi %parallel_loop3A_50 : vector<16xf32> to vector<16xi32>
        %parallel_loop3A_55 = vector.broadcast %mul3A_14 : i32 to vector<16xi32>
        %parallel_loop3A_56 = arith.addi %parallel_loop3A_54, %parallel_loop3A_55 : vector<16xi32>
        %parallel_loop3A_57 = tpu.vector_load_idx %arg7[%parallel_loop3A_53] : memref<25600xf32, #tpu.memory_space<vmem>>[vector<16xi32>], vector<16xf32>,
        %parallel_loop3A_58 = arith.constant 12800 : i32
        %parallel_loop3A_59 = vector.broadcast %parallel_loop3A_58 : i32 to vector<16xi32>
        %parallel_loop3A_60 = arith.addi %parallel_loop3A_53, %parallel_loop3A_59 : vector<16xi32>
        %parallel_loop3A_61 = tpu.vector_load_idx %arg7[%parallel_loop3A_60] : memref<25600xf32, #tpu.memory_space<vmem>>[vector<16xi32>], vector<16xf32>,
        %parallel_loop3A_62 = tpu.vector_load_idx %arg7[%parallel_loop3A_56] : memref<25600xf32, #tpu.memory_space<vmem>>[vector<16xi32>], vector<16xf32>,
        %parallel_loop3A_63 = arith.constant 12800 : i32
        %parallel_loop3A_64 = vector.broadcast %parallel_loop3A_63 : i32 to vector<16xi32>
        %parallel_loop3A_65 = arith.addi %parallel_loop3A_56, %parallel_loop3A_64 : vector<16xi32>
        %parallel_loop3A_66 = tpu.vector_load_idx %arg7[%parallel_loop3A_65] : memref<25600xf32, #tpu.memory_space<vmem>>[vector<16xi32>], vector<16xf32>,
        %parallel_loop3A_67 = arith.mulf %parallel_loop3A_57, %parallel_loop3A_22 : vector<16xf32>
        %parallel_loop3A_68 = arith.addf %parallel_loop3A_67, %parallel_loop3A_61 : vector<16xf32>
        %parallel_loop3A_69 = arith.constant 16 : i32
        %parallel_loop3A_70 = arith.muli %parallel_loop3A_18, %parallel_loop3A_69 : i32
        %parallel_loop3A_71 = arith.index_cast %parallel_loop3A_70 : i32 to index
        %parallel_loop3A_72 = tpu.vector_load %arg10[%parallel_loop3A_71] {strides = array<i32>} : memref<16384xf32, #tpu.memory_space<vmem>>, vector<16xf32>,
        tpu.vector_store %arg10[%parallel_loop3A_71], %parallel_loop3A_68 {strides = array<i32>} : memref<16384xf32, #tpu.memory_space<vmem>>, vector<16xf32>,
        %parallel_loop3A_73 = arith.mulf %parallel_loop3A_62, %parallel_loop3A_26 : vector<16xf32>
        %parallel_loop3A_74 = arith.addf %parallel_loop3A_73, %parallel_loop3A_66 : vector<16xf32>
        %parallel_loop3A_75 = arith.constant 16 : i32
        %parallel_loop3A_76 = arith.muli %parallel_loop3A_18, %parallel_loop3A_75 : i32
        %parallel_loop3A_77 = arith.index_cast %parallel_loop3A_76 : i32 to index
        %parallel_loop3A_78 = tpu.vector_load %arg11[%parallel_loop3A_77] {strides = array<i32>} : memref<16384xf32, #tpu.memory_space<vmem>>, vector<16xf32>,
        tpu.vector_store %arg11[%parallel_loop3A_77], %parallel_loop3A_74 {strides = array<i32>} : memref<16384xf32, #tpu.memory_space<vmem>>, vector<16xf32>,
      } {sc.loop_unroll_factor = 8 : i64, sc.parallel_access}
      "tpu.region"() ({
        %run_scoped3A = tpu.sem_alloc : memref<!tpu.dma_semaphore, #tpu.memory_space<semaphore_mem>>
        %dma_start3A = arith.constant 0 : i32
        %dma_start3A_18 = tpu.memref_slice %arg5[%add3A_11, %dma_start3A] : memref<1024x16384xf32, #tpu.memory_space<hbm>> -> memref<1x16384xf32, #tpu.memory_space<hbm>>
        %dma_start3A_19 = tpu.memref_squeeze %dma_start3A_18 : memref<1x16384xf32, #tpu.memory_space<hbm>> -> memref<16384xf32, #tpu.memory_space<hbm>>
        %dma_start3A_20 = arith.constant 0 : i32
        %dma_start3A_21 = tpu.memref_slice %arg5[%add3A_11, %dma_start3A_20] : memref<1024x16384xf32, #tpu.memory_space<hbm>> -> memref<1x16384xf32, #tpu.memory_space<hbm>>
        %dma_start3A_22 = tpu.memref_squeeze %dma_start3A_21 : memref<1x16384xf32, #tpu.memory_space<hbm>> -> memref<16384xf32, #tpu.memory_space<hbm>>
        tpu.enqueue_dma source(%arg10 : memref<16384xf32, #tpu.memory_space<vmem>>) target(%dma_start3A_22 : memref<16384xf32, #tpu.memory_space<hbm>>) target_semaphore(%run_scoped3A : memref<!tpu.dma_semaphore, #tpu.memory_space<semaphore_mem>>)
        %dma_wait3A = arith.constant 0 : i32
        %dma_wait3A_23 = tpu.memref_slice %arg5[%add3A_11, %dma_wait3A] : memref<1024x16384xf32, #tpu.memory_space<hbm>> -> memref<1x16384xf32, #tpu.memory_space<hbm>>
        %dma_wait3A_24 = tpu.memref_squeeze %dma_wait3A_23 : memref<1x16384xf32, #tpu.memory_space<hbm>> -> memref<16384xf32, #tpu.memory_space<hbm>>
        %dma_wait3A_25 = arith.constant 0 : i32
        %dma_wait3A_26 = tpu.memref_slice %arg5[%add3A_11, %dma_wait3A_25] : memref<1024x16384xf32, #tpu.memory_space<hbm>> -> memref<1x16384xf32, #tpu.memory_space<hbm>>
        %dma_wait3A_27 = tpu.memref_squeeze %dma_wait3A_26 : memref<1x16384xf32, #tpu.memory_space<hbm>> -> memref<16384xf32, #tpu.memory_space<hbm>>
        tpu.wait_dma2 semaphore(%run_scoped3A : memref<!tpu.dma_semaphore, #tpu.memory_space<semaphore_mem>>) src(%arg10 : memref<16384xf32, #tpu.memory_space<vmem>>) dst(%dma_wait3A_27 : memref<16384xf32, #tpu.memory_space<hbm>>)
        tpu.yield
      }) : () -> ()
      "tpu.region"() ({
        %run_scoped3A = tpu.sem_alloc : memref<!tpu.dma_semaphore, #tpu.memory_space<semaphore_mem>>
        %dma_start3A = arith.constant 0 : i32
        %dma_start3A_18 = tpu.memref_slice %arg6[%add3A_11, %dma_start3A] : memref<1024x16384xf32, #tpu.memory_space<hbm>> -> memref<1x16384xf32, #tpu.memory_space<hbm>>
        %dma_start3A_19 = tpu.memref_squeeze %dma_start3A_18 : memref<1x16384xf32, #tpu.memory_space<hbm>> -> memref<16384xf32, #tpu.memory_space<hbm>>
        %dma_start3A_20 = arith.constant 0 : i32
        %dma_start3A_21 = tpu.memref_slice %arg6[%add3A_11, %dma_start3A_20] : memref<1024x16384xf32, #tpu.memory_space<hbm>> -> memref<1x16384xf32, #tpu.memory_space<hbm>>
        %dma_start3A_22 = tpu.memref_squeeze %dma_start3A_21 : memref<1x16384xf32, #tpu.memory_space<hbm>> -> memref<16384xf32, #tpu.memory_space<hbm>>
        tpu.enqueue_dma source(%arg11 : memref<16384xf32, #tpu.memory_space<vmem>>) target(%dma_start3A_22 : memref<16384xf32, #tpu.memory_space<hbm>>) target_semaphore(%run_scoped3A : memref<!tpu.dma_semaphore, #tpu.memory_space<semaphore_mem>>)
        %dma_wait3A = arith.constant 0 : i32
        %dma_wait3A_23 = tpu.memref_slice %arg6[%add3A_11, %dma_wait3A] : memref<1024x16384xf32, #tpu.memory_space<hbm>> -> memref<1x16384xf32, #tpu.memory_space<hbm>>
        %dma_wait3A_24 = tpu.memref_squeeze %dma_wait3A_23 : memref<1x16384xf32, #tpu.memory_space<hbm>> -> memref<16384xf32, #tpu.memory_space<hbm>>
        %dma_wait3A_25 = arith.constant 0 : i32
        %dma_wait3A_26 = tpu.memref_slice %arg6[%add3A_11, %dma_wait3A_25] : memref<1024x16384xf32, #tpu.memory_space<hbm>> -> memref<1x16384xf32, #tpu.memory_space<hbm>>
        %dma_wait3A_27 = tpu.memref_squeeze %dma_wait3A_26 : memref<1x16384xf32, #tpu.memory_space<hbm>> -> memref<16384xf32, #tpu.memory_space<hbm>>
        tpu.wait_dma2 semaphore(%run_scoped3A : memref<!tpu.dma_semaphore, #tpu.memory_space<semaphore_mem>>) src(%arg11 : memref<16384xf32, #tpu.memory_space<vmem>>) dst(%dma_wait3A_27 : memref<16384xf32, #tpu.memory_space<hbm>>)
        tpu.yield
      }) : () -> ()
      %scan3A_17 = arith.constant 0 : i32
      scf.yield %scan3A_17 : i32
    }
    %scan3A_8 = arith.constant 32 : i32
    return
  }
}

</mosaic_0001>

<sc_bundles>
// kernel: kernel.3.cloned.1.call-start
scs
__scs_entry_jumppad:
0x0: {  	(pc) =	sbr.rel $0x88, $3  }
0x1: {  	(tag) =	ssettag $0x0;
	lr =	simm.s32 $0x1  }
0x2: {  	[smem:$0x3F9D] =	sst lr;
	_ =	strace $0xD0000000  }
0x3: {  	_ = 	snop  }
0x4: {  	_ = 	snop  }
0x5: {  	_ = 	snop  }
0x6: {  	_ = 	snop  }
0x7: {  	_ = 	snop  }
__scs_overlays_trampoline_lowered:
0x8: {  	[smem:$0x3FAC] =	sst s0  }
0x9: {  	[smem:$0x3FAD] =	sst s1  }
0xa: {  	[smem:$0x3FAE] =	sst s2  }
0xb: {  	[smem:$0x3FAF] =	sst s3  }
0xc: {  	[smem:$0x3FB0] =	sst s4  }
0xd: {  	[smem:$0x3FB1] =	sst s5  }
0xe: {  	[smem:$0x3FB2] =	sst s6  }
0xf: {  	[smem:$0x3FB3] =	sst s7  }
0x10: {  	[smem:$0x3FB4] =	sst s8  }
0x11: {  	[smem:$0x3FB5] =	sst s9;
	s0 =	simm.s32 @!p0 $0x0  }
0x12: {  	s1 =	sld [smem:$0x3F9B];
	s0 =	simm.s32 @p0 $0x1  }
0x13: {  	[smem:$0x3FB6] =	sst s0;
	s0 =	simm.s32 @!p1 $0x0  }
0x14: {  	s2 =	sld [smem:$0x3F9A];
	s0 =	simm.s32 @p1 $0x1  }
0x15: {  	[smem:$0x3FB7] =	sst s0;
	s0 =	simm.s32 @!p2 $0x0  }
0x16: {  	s3 =	sld [smem:$0x3FDB];
	s0 =	simm.s32 @p2 $0x1  }
0x17: {  	s4 =	simm.s32 $0x1BF5;
	[smem:$0x3FB9] =	sst s0  }
0x18: {  	s0 =	sld [smem:$0x3F9C];
	_ =	swait.ge [sflag:s4], $0x0  }
0x19: {  	s7 =	sld [smem:$0x3F9D]  }
0x1a: {  	s8 =	sadd.s32 $0xFFFFE003, lr  }
0x1b: {  	s9 =	sadd.s32 $0xFFFFFEF7, lr;
	s5 =	simm.s32 $0xFFFFFFFF;
	p2 =	slt.u32 s8, $0xFFFFF086  }
0x1c: {  	p1 =	slt.u32 s9, $0xF7A;
	s5 =	simm.s32 @!p2 $0x0  }
0x1d: {  	s5 =	simm.s32 @p1 $0x1;
	p0 =	seq.s32 s7, s2  }
0x1e: {  	s7 =	smul.u32 @!p0 $0xF7A, s2;
	p2 =	seq.s32 @!p0 s5, $0x0  }
0x1f: {  	s9 =	smul.u32 $0xF7A, s1;
	s8 =	simm.s32 @!p0 $0x1BF5;
	p2 =	por !p2, p0  }
0x20: {  	[sflag:s8] =	ssyncset.s32 @!p0 $0xFFFFF086;
	s6 =	sadd.s32 @!p0 s3, s7;
	s7 =	simm.s32 @!p0 $0x108  }
0x21: {  	s3 =	sadd.s32 s3, s9;
	s6 =	sadd.s32 @!p0 $0x88, s6;
	s7 =	simm.s32 @p2 $0x1082  }
0x22: {  	[simem:s7], [sflag:s8] =	dma.local @!p0 [hbm:s6], $0xF7A  }
0x23: {  	s9 =	sor.u32 $0xD0000000, s2;
	s6 =	simm.s32 $0x108;
	_ =	swait.ge @!p0 [sflag:s8], $0x0  }
0x24: {  	s3 =	sadd.s32 $0x88, s3;
	s6 =	simm.s32 @!p1 $0x1082;
	[sflag:s4] =	ssyncset.s32 $0xFFFFF086  }
0x25: {  	[simem:s6], [sflag:s4] =	dma.local [hbm:s3], $0xF7A  }
0x26: {  	[smem:$0x3F9D] =	sst s1;
	(tag) =	ssettag s2;
	_ =	strace s9  }
0x27: {  	s1 =	sld [smem:$0x3FAD]  }
0x28: {  	s2 =	sld [smem:$0x3FAE]  }
0x29: {  	s4 =	sld [smem:$0x3FB0]  }
0x2a: {  	p0 =	seq.s32 s5, $0x0;
	s5 =	sld [smem:$0x3FB1]  }
0x2b: {  	s6 =	sld [smem:$0x3FB2]  }
0x2c: {  	s7 =	sld [smem:$0x3FB3]  }
0x2d: {  	s3 =	simm.s32 $0x108;
	s8 =	sld [smem:$0x3FB4]  }
0x2e: {  	s3 =	simm.s32 @!p0 $0x1082;
	s9 =	sld [smem:$0x3FB5]  }
0x2f: {  	lr =	sadd.s32 s0, s3;
	s0 =	sld [smem:$0x3FAC]  }
0x30: {  	s3 =	sld [smem:$0x3FAF]  }
0x31: {  	[smem:$0x3FB8] =	sst s10  }
0x32: {  	s10 =	sld [smem:$0x3FB6];
	_ =	sdelay $0x3  }
0x33: {  	p0 =	seq.s32 s10, $0x1;
	s10 =	sld [smem:$0x3FB8];
	_ =	sdelay $0x3  }
0x34: {  	[smem:$0x3FB8] =	sst s10  }
0x35: {  	s10 =	sld [smem:$0x3FB7];
	_ =	sdelay $0x3  }
0x36: {  	p1 =	seq.s32 s10, $0x1;
	s10 =	sld [smem:$0x3FB8];
	_ =	sdelay $0x3  }
0x37: {  	[smem:$0x3FB8] =	sst s10  }
0x38: {  	s10 =	sld [smem:$0x3FB9]  }
0x39: {  	_ = 	snop;
	(pc) =	sbr.ind lr, $3  }
0x3a: {  	_ = 	snop  }
0x3b: {  	_ = 	snop  }
0x3c: {  	p2 =	seq.s32 s10, $0x1;
	s10 =	sld [smem:$0x3FB8]  }
0x3d: {  	_ =	shalt  }
0x3e: {  	_ =	shalt  }
0x3f: {  	_ =	shalt  }
0x40: {  	_ =	shalt  }
0x41: {  	_ =	shalt  }
0x42: {  	_ =	shalt  }
0x43: {  	_ =	shalt  }
0x44: {  	_ =	shalt  }
0x45: {  	_ =	shalt  }
0x46: {  	_ =	shalt  }
0x47: {  	_ =	shalt  }
0x48: {  	_ =	shalt  }
0x49: {  	_ =	shalt  }
0x4a: {  	_ =	shalt  }
0x4b: {  	_ =	shalt  }
0x4c: {  	_ =	shalt  }
0x4d: {  	_ =	shalt  }
0x4e: {  	_ =	shalt  }
0x4f: {  	_ =	shalt  }
0x50: {  	_ =	shalt  }
0x51: {  	_ =	shalt  }
0x52: {  	_ =	shalt  }
0x53: {  	_ =	shalt  }
0x54: {  	_ =	shalt  }
0x55: {  	_ =	shalt  }
0x56: {  	_ =	shalt  }
0x57: {  	_ =	shalt  }
0x58: {  	_ =	shalt  }
0x59: {  	_ =	shalt  }
0x5a: {  	_ =	shalt  }
0x5b: {  	_ =	shalt  }
0x5c: {  	_ =	shalt  }
0x5d: {  	_ =	shalt  }
0x5e: {  	_ =	shalt  }
0x5f: {  	_ =	shalt  }
0x60: {  	_ =	shalt  }
0x61: {  	_ =	shalt  }
0x62: {  	_ =	shalt  }
0x63: {  	_ =	shalt  }
0x64: {  	_ =	shalt  }
0x65: {  	_ =	shalt  }
0x66: {  	_ =	shalt  }
0x67: {  	_ =	shalt  }
0x68: {  	_ =	shalt  }
0x69: {  	_ =	shalt  }
0x6a: {  	_ =	shalt  }
0x6b: {  	_ =	shalt  }
0x6c: {  	_ =	shalt  }
0x6d: {  	_ =	shalt  }
0x6e: {  	_ =	shalt  }
0x6f: {  	_ =	shalt  }
0x70: {  	_ =	shalt  }
0x71: {  	_ =	shalt  }
0x72: {  	_ =	shalt  }
0x73: {  	_ =	shalt  }
0x74: {  	_ =	shalt  }
0x75: {  	_ =	shalt  }
0x76: {  	_ =	shalt  }
0x77: {  	_ =	shalt  }
0x78: {  	_ =	shalt  }
0x79: {  	_ =	shalt  }
0x7a: {  	_ =	shalt  }
0x7b: {  	_ =	shalt  }
0x7c: {  	_ =	shalt  }
0x7d: {  	_ =	shalt  }
0x7e: {  	_ =	shalt  }
0x7f: {  	_ =	shalt  }
0x80: {  	_ =	shalt  }
0x81: {  	_ =	shalt  }
0x82: {  	_ =	shalt  }
0x83: {  	_ =	shalt  }
0x84: {  	_ =	shalt  }
0x85: {  	_ =	shalt  }
0x86: {  	_ =	shalt  }
0x87: {  	_ =	shalt  }
.Lfunc_end0:
.L_simem_size_0:
called_computation_lowered:
.L_overlay_start_0:
0x88: {  	s2 =	sld [smem:$0x3FD9]  }
0x89: {  	s3 =	sld [smem:$0x3FFE];
	_ =	sdelay $0x1  }
0x8a: {  	s1 =	srdreg.scid  }
0x8b: {  	s0 =	sand.u32 $0x1, s1  }
0x8c: {  	s17 =	sshll.u32 s0, $0xA;
	s2 =	sadd.s32 s3, s2  }
0x8d: {  	s2 =	sadd.s32 s2, s17  }
0x8e: {  	[smem:$0x3FC4] =	sst s2  }
0x8f: {  	_ = 	snop  }
0x90: {  	s2 =	sld [smem:$0x3FC9]  }
0x91: {  	s18 =	sld [smem:$0x3FC8]  }
0x92: {  	s4 =	sld [smem:$0x3FD0];
	(tm) =	ssettm $0x1  }
0x93: {  	s5 =	sld [smem:$0x3FFB];
	_ =	sdelay $0x3  }
0x94: {  	_ =	strace s5  }
0x95: {  	s5 =	sld [smem:$0x3FFC];
	_ =	sdelay $0x3  }
0x96: {  	_ =	strace s5  }
0x97: {  	s5 =	sld [smem:$0x3FFD];
	_ =	sdelay $0x3  }
0x98: {  	_ =	strace s5  }
0x99: {  	_ =	strace $0x8FFFFFFF  }
0x9a: {  	s19 =	sld [smem:$0x3FDB];
	_ =	sdelay $0x1  }
0x9b: {  	s6 =	simm.s32 $_scs_section_size  }
0x9c: {  	s7 =	simm.s32 $_size__tile_overlayer_lowered;
	s8 =	simm.s32 $_tile_overlayer_lowered  }
0x9d: {  	s22 =	simm.s32 $0x1BFF;
	s21 =	sshll.u32 s8, $0x1;
	s5 =	sadd.s32 s6, s19  }
0x9e: {  	s9 =	simm.s32 $0x0;
	s20 =	sshll.u32 s7, $0x1;
	s7 =	sadd.s32 s21, s5  }
0x9f: {  	[timem:s9], [sflag:s22] =	dma.local [hbm:s7], s20  }
0xa0: {  	_ =	swait.ge [sflag:s22], s20  }
0xa1: {  	s6 =	ssub.s32 $0x0, s20;
	[sflag:s22] =	ssyncset.done $0x0  }
0xa2: {  	[sflag:s22] =	ssyncadd.s32 s6;
	_ =	sdelay $0x1  }
0xa3: {  	s23 =	simm.s32 $0x1B8B  }
0xa4: {  	_ =	swait.ge [sflag:s23], $0x1  }
0xa5: {  	[sflag:s23] =	ssyncset.done $0x0  }
0xa6: {  	s25 =	simm.s32 $0x1B8E;
	s24 =	sld [smem:$0x3FFE];
	[sflag:s23] =	ssyncadd.s32 $0xFFFFFFFF  }
0xa7: {  	s26 =	simm.s32 $execute0_lowered;
	[smem:$0x3FD2] =	sst s25  }
0xa8: {  	s7 =	sshll.u32 s26, $0x1;
	_ =	strace $0x80000046;
	[dreg:$0x1] =	wrdreg $0xFFFFFFFF  }
0xa9: {  	s28 =	simm.s32 $_size_execute0_lowered;
	s5 =	sadd.s32 s5, s7;
	[dreg:$0x0] =	wrdreg $0x0  }
0xaa: {  	s7 =	sshll.u32 s28, $0x1;
	[dreg:$0x2] =	wrdreg s5  }
0xab: {  	[dreg:$0x3] =	wrdreg s7  }
0xac: {  	[dreg:$0x4] =	wrdreg $0xC0  }
0xad: {  	_ =	task [dreg:s9], $0x5FFFF  }
0xae: {  	[dreg:$0x1] =	wrdreg $0xFFFFFFFF  }
0xaf: {  	[dreg:$0x0] =	wrdreg $0x60  }
0xb0: {  	[dreg:$0x2] =	wrdreg s2  }
0xb1: {  	[dreg:$0x3] =	wrdreg s18  }
0xb2: {  	[dreg:$0x4] =	wrdreg s4  }
0xb3: {  	[dreg:$0x5] =	wrdreg s24  }
0xb4: {  	[dreg:$0x6] =	wrdreg $0x9  }
0xb5: {  	_ =	task.clear_ibuf [dreg:s9], $0x7FFFF;
	_ =	strace $0x90000046  }
0xb6: {  	s29 =	simm.s32 $0x9;
	_ =	strace $0x80000048  }
0xb7: {  	_ =	swait.ge [sflag:s29], $0x1  }
0xb8: {  	[sflag:s29] =	ssyncadd.s32 $0xFFFFFFFF  }
0xb9: {  	_ =	strace $0x90000048  }
0xba: {  	_ =	sfence  }
0xbb: {  	s30 =	sld [smem:$0x0];
	_ =	sdelay $0x2  }
0xbc: {  	s31 =	sshll.u32 s1, $0xD;
	s1 =	sshrl.u32 s1, $0x2  }
0xbd: {  	s3 =	sand.u32 $0x4000, s31;
	s1 =	sadd.s32 s1, s30  }
0xbe: {  	s0 =	sor.u32 s3, s0;
	s1 =	sshll.u32 s1, $0x11  }
0xbf: {  	s0 =	sor.u32 s1, s0  }
0xc0: {  	s0 =	sadd.s32 $0x8F2B, s0  }
0xc1: {  	[sflag:s0] =	ssyncadd.remote.s32 $0x1  }
0xc2: {  	_ =	sfence.sel $0xFFFF  }
0xc3: {  	[dreg:$0x0] =	wrdreg $0xFFFFFFFF;
	(pc) =	sbr.abs _section_cstart, $3  }
0xc4: {  	[dreg:$0x1] =	wrdreg $0xFFFFFFFF  }
0xc5: {  	_ =	task.clear_ibuf [dreg:s9], $0x2FFFF;
	_ =	strace $0x9FFFFFFF  }
0xc6: {  	(tm) =	ssettm $0x7FFFFFFF  }
0xc7: {  	_ =	shalt  }
tec
execute0_lowered:
.L_overlay_start_1:
0x0: {  	(tag) =	ssettag $0x1  }
0x1: {  	s1 =	rddreg [dreg:$0x0]  }
0x2: {  	s2 =	rddreg [dreg:$0x1]  }
0x3: {  	s3 =	rddreg [dreg:$0x2]  }
0x4: {  	s7 =	rddreg [dreg:$0x3]  }
0x5: {  	s0 =	rddreg [dreg:$0x4];
	s4 =	simm.s32 $0x0;
	s5 =	srdreg.scid  }
0x6: {  	s12 =	simm.s32 $0x400;
	s13 =	simm.s32 $0x6400;
	s14 =	simm.s32 $0xA400  }
0x7: {  	s15 =	simm.s32 $0xE400;
	s16 =	simm.s32 $0x12400;
	s17 =	simm.s32 $0x0  }
0x8: {  	[smem:$0x7FF] =	sst s4;
	s8 =	sand.u32 $0x1, s5;
	s6 =	sadd.s32 $0xA00, s7  }
0x9: {  	s5 =	stileid.u32;
	s7 =	sadd.s32 $0x200A00, s7;
	s9 =	ssub.s32 $0x2, s8  }
0xa: {  	s11 =	sshll.u32 s5, $0x6;
	s8 =	sshll.u32 s8, $0x5;
	s10 =	sshrl.u32 s9, $0x1  }
0xb: {  	_ =	strace $0x80000047;
	s8 =	sor.u32 s8, s11;
	s9 =	ssub.s32 s9, s10  }
0xc: {  	s11 =	simm.s32 $0x80;
	s10 =	simm.s32 $0x1;
	s9 =	smax.u32 s9, $0x1  }
.LBB2_1:
0xd: {  	[tilespmem:s4], [sflag:$0x1] =	stream.linear.gather [hbm4b:s3+s4], $0x6400, $0x38;
	[tilespmem:$0x16400] =	vst v63  }
0xe: {  	_ =	swait.ge [sflag:s10], $0x6400  }
0xf: {  	[sflag:s10] =	ssyncset.done $0x0  }
0x10: {  	s18 =	simm.s32 $0x0;
	[sflag:s10] =	ssyncadd.s32 $0xFFFF9C00  }
.LBB2_2:
0x11: {  	s20 =	sadd.s32 s8, s18  }
0x12: {  	s21 =	sshll.u32 s18, $0x4;
	s19 =	sshll.u32 s20, $0xB  }
0x13: {  	s21 =	sand.u32 $0x70, s21;
	s19 =	sand.u32 $0x1FC000, s19  }
0x14: {  	s19 =	sor.u32 s21, s19  }
0x15: {  	s21 =	sadd.s32 s1, s19  }
0x16: {  	[tilespmem:s13], [sflag:$0x1] =	stream.strided.gather [hbm4b:s21+s11], $0x4000, s12, s11, $0x38;
	[tilespmem:$0x16400] =	vst v63  }
0x17: {  	_ =	swait.ge [sflag:s10], $0x4000  }
0x18: {  	[sflag:s10] =	ssyncset.done $0x0  }
0x19: {  	s29 =	sadd.s32 s2, s19;
	[sflag:s10] =	ssyncadd.s32 $0xFFFFC000  }
0x1a: {  	[tilespmem:s14], [sflag:$0x1] =	stream.strided.gather [hbm4b:s29+s11], $0x4000, s12, s11, $0x38;
	[tilespmem:$0x16400] =	vst v63  }
0x1b: {  	_ =	swait.ge [sflag:s10], $0x4000  }
0x1c: {  	[sflag:s10] =	ssyncset.done $0x0  }
0x1d: {  	s30 =	simm.s32 $0x6440;
	[sflag:s10] =	ssyncadd.s32 $0xFFFFC000  }
0x1e: {  	s22 =	simm.s32 $0xA440;
	v0 =	vld [tilespmem:s30+$0x30]  }
0x1f: {  	v1 =	vld [tilespmem:s22+$0x30]  }
0x20: {  	v18 =	vld [tilespmem:s22+$0xFFFFFFC0]  }
0x21: {  	v19 =	vld [tilespmem:s30+$0xFFFFFFD0]  }
0x22: {  	v20 =	vld [tilespmem:s22+$0xFFFFFFD0]  }
0x23: {  	v17 =	vld [tilespmem:s30+$0xFFFFFFE0]  }
0x24: {  	v14 =	vld [tilespmem:s22+$0xFFFFFFE0]  }
0x25: {  	v15 =	vld [tilespmem:s30+$0xFFFFFFF0]  }
0x26: {  	v16 =	vld [tilespmem:s22+$0xFFFFFFF0]  }
0x27: {  	v13 =	vld [tilespmem:s30+$0x0]  }
0x28: {  	v21 =	vld [tilespmem:s22+$0x0]  }
0x29: {  	v23 =	vld [tilespmem:s30+$0x10]  }
0x2a: {  	v24 =	vld [tilespmem:s22+$0x10];
	v2 =	vmul.f32 $1.666666600e+01, v0;
	v3 =	vmul.f32 $1.666666600e+01, v1  }
0x2b: {  	v25 =	vld [tilespmem:s30+$0x20];
	v4 =	vmul.f32 $1.666666600e+01, v18;
	v5 =	vmul.f32 $1.666666600e+01, v19  }
0x2c: {  	s20 =	sand.u32 $0x7F, s20;
	v26 =	vld [tilespmem:s22+$0x20];
	v7 =	vmul.f32 $1.666666600e+01, v20;
	v8 =	vmul.f32 $1.666666600e+01, v17  }
0x2d: {  	s20 =	smul.u32 $0x64, s20;
	v11 =	vld [tilespmem:s30+$0xFFFFFFC0];
	v9 =	vmul.f32 $1.666666600e+01, v14;
	v10 =	vmul.f32 $1.666666600e+01, v15;
	[tilespmem:$0x1FF60] =	vst v13  }
0x2e: {  	v12 =	vmul.f32 $1.666666600e+01, v16;
	v13 =	vmul.f32 $1.666666600e+01, v13;
	[tilespmem:$0x1FF70] =	vst v21  }
0x2f: {  	v6 =	vmov s20;
	v21 =	vmul.f32 $1.666666600e+01, v21;
	[tilespmem:$0x1FF80] =	vst v23;
	v23 =	vmul.f32 $1.666666600e+01, v23  }
0x30: {  	[tilespmem:$0x1FF90] =	vst v24;
	v24 =	vmul.f32 $1.666666600e+01, v24;
	v2 =	vadd.f32 $5.000000000e+01, v2;
	v3 =	vadd.f32 $5.000000000e+01, v3  }
0x31: {  	[tilespmem:$0x1FFA0] =	vst v25;
	v25 =	vmul.f32 $1.666666600e+01, v25;
	v4 =	vadd.f32 $5.000000000e+01, v4;
	v5 =	vadd.f32 $5.000000000e+01, v5  }
0x32: {  	v27 =	vmul.f32 $1.666666600e+01, v11;
	v7 =	vadd.f32 $5.000000000e+01, v7;
	v8 =	vadd.f32 $5.000000000e+01, v8  }
0x33: {  	v9 =	vadd.f32 $5.000000000e+01, v9;
	v10 =	vadd.f32 $5.000000000e+01, v10;
	v2 =	vclamp.gez.f32 v2, $9.900000000e+01  }
0x34: {  	v12 =	vadd.f32 $5.000000000e+01, v12;
	v3 =	vclamp.gez.f32 v3, $9.900000000e+01;
	v4 =	vclamp.gez.f32 v4, $9.900000000e+01  }
0x35: {  	v27 =	vadd.f32 $5.000000000e+01, v27;
	v5 =	vclamp.gez.f32 v5, $9.900000000e+01;
	v7 =	vclamp.gez.f32 v7, $9.900000000e+01  }
0x36: {  	v13 =	vadd.f32 $5.000000000e+01, v13;
	v8 =	vclamp.gez.f32 v8, $9.900000000e+01;
	v2 =	vtrunc.f32 v2  }
0x37: {  	v24 =	vadd.f32 $5.000000000e+01, v24;
	v9 =	vclamp.gez.f32 v9, $9.900000000e+01;
	v2 =	vcvt.f32.s32 v2  }
0x38: {  	v25 =	vadd.f32 $5.000000000e+01, v25;
	v10 =	vclamp.gez.f32 v10, $9.900000000e+01;
	v3 =	vtrunc.f32 v3  }
0x39: {  	v12 =	vclamp.gez.f32 v12, $9.900000000e+01;
	v3 =	vcvt.f32.s32 v3;
	v2 =	vadd.s32 v2, v6  }
0x3a: {  	v27 =	vclamp.gez.f32 v27, $9.900000000e+01;
	v13 =	vclamp.gez.f32 v13, $9.900000000e+01  }
0x3b: {  	v24 =	vclamp.gez.f32 v24, $9.900000000e+01;
	v25 =	vclamp.gez.f32 v25, $9.900000000e+01;
	v3 =	vadd.s32 v3, v6  }
0x3c: {  	v4 =	vtrunc.f32 v4;
	v5 =	vtrunc.f32 v5  }
0x3d: {  	v7 =	vtrunc.f32 v7;
	v5 =	vcvt.f32.s32 v5  }
0x3e: {  	v8 =	vtrunc.f32 v8;
	v9 =	vtrunc.f32 v9;
	v22 =	vadd.s32 $0x3200, v2;
	v2 =	vld.idx.msk [tilespmem:v2+s4+$0x0], $0xffff  }
0x3f: {  	v10 =	vtrunc.f32 v10;
	v12 =	vtrunc.f32 v12;
	v5 =	vadd.s32 v5, v6;
	[tilespmem:$0x1FFB0] =	vst v26  }
0x40: {  	v13 =	vtrunc.f32 v13;
	v9 =	vcvt.f32.s32 v9;
	v28 =	vadd.s32 $0x3200, v3;
	v3 =	vld.idx.msk [tilespmem:v3+s4+$0x0], $0xffff  }
0x41: {  	v23 =	vadd.f32 $5.000000000e+01, v23;
	v4 =	vcvt.f32.s32 v4;
	v7 =	vcvt.f32.s32 v7  }
0x42: {  	v10 =	vcvt.f32.s32 v10;
	v29 =	vadd.s32 v9, v6;
	v26 =	vmul.f32 $1.666666600e+01, v26  }
0x43: {  	v0 =	vmul.f32 v2, v0;
	v2 =	vadd.f32 $5.000000000e+01, v21;
	v21 =	vtrunc.f32 v27  }
0x44: {  	v13 =	vcvt.f32.s32 v13;
	v4 =	vadd.s32 v4, v6;
	v32 =	vld.idx.msk [tilespmem:v5+s4+$0x0], $0xffff;
	v21 =	vcvt.f32.s32 v21  }
0x45: {  	v26 =	vadd.f32 $5.000000000e+01, v26;
	v1 =	vmul.f32 v3, v1;
	v3 =	vcvt.f32.s32 v8;
	v8 =	vld.idx.msk [tilespmem:v22+s4+$0x0], $0xffff  }
0x46: {  	s20 =	simm.s32 $0xA4C0;
	v12 =	vcvt.f32.s32 v12;
	v22 =	vclamp.gez.f32 v23, $9.900000000e+01;
	v23 =	vadd.s32 v7, v6;
	v7 =	vld.idx.msk [tilespmem:v28+s4+$0x0], $0xffff  }
0x47: {  	v37 =	vadd.s32 v13, v6;
	v35 =	vld [tilespmem:s20+$0x30];
	v9 =	vclamp.gez.f32 v26, $9.900000000e+01;
	v21 =	vadd.s32 v21, v6  }
0x48: {  	s31 =	simm.s32 $0x64C0;
	v36 =	vld.idx.msk [tilespmem:v29+s4+$0x0], $0xffff;
	v26 =	vadd.s32 v10, v6;
	v10 =	vtrunc.f32 v22;
	v3 =	vadd.s32 v3, v6  }
0x49: {  	v22 =	vadd.s32 v12, v6;
	v12 =	vtrunc.f32 v24;
	v24 =	vtrunc.f32 v25;
	v25 =	vld [tilespmem:s31+$0x30]  }
0x4a: {  	v43 =	vadd.s32 $0x3200, v29;
	v30 =	vadd.s32 $0x3200, v37;
	v28 =	vld.idx.msk [tilespmem:v4+s4+$0x0], $0xffff  }
0x4b: {  	v9 =	vtrunc.f32 v9;
	v2 =	vclamp.gez.f32 v2, $9.900000000e+01;
	v33 =	vld.idx.msk [tilespmem:v23+s4+$0x0], $0xffff;
	v1 =	vadd.f32 v7, v1  }
0x4c: {  	v5 =	vadd.s32 $0x3200, v5;
	v9 =	vcvt.f32.s32 v9;
	v2 =	vtrunc.f32 v2;
	v27 =	vld.idx.msk [tilespmem:v21+s4+$0x0], $0xffff  }
0x4d: {  	v31 =	vadd.f32 v8, v0;
	v0 =	vcvt.f32.s32 v2;
	v2 =	vcvt.f32.s32 v10;
	v34 =	vld.idx.msk [tilespmem:v3+s4+$0x0], $0xffff;
	[tilespmem:$0x1FFF0] =	vst v1  }
0x4e: {  	v44 =	vadd.s32 $0x3200, v26;
	v8 =	vcvt.f32.s32 v24;
	v10 =	vmul.f32 $1.666666600e+01, v25;
	v24 =	vld.idx.msk [tilespmem:v26+s4+$0x0], $0xffff  }
0x4f: {  	v4 =	vadd.s32 $0x3200, v4;
	v1 =	vcvt.f32.s32 v12;
	v12 =	vmul.f32 $1.666666600e+01, v35;
	v38 =	vld.idx.msk [tilespmem:v22+s4+$0x0], $0xffff  }
0x50: {  	v29 =	vmul.f32 v32, v19;
	v40 =	vadd.s32 $0x3200, v21;
	v7 =	vld [tilespmem:s20+$0xFFFFFFC0];
	v13 =	vadd.f32 $5.000000000e+01, v10  }
0x51: {  	v39 =	vadd.s32 v8, v6;
	v8 =	vld [tilespmem:s31+$0xFFFFFFD0];
	v26 =	vmul.f32 v28, v18;
	v21 =	vadd.f32 $5.000000000e+01, v12  }
0x52: {  	v42 =	vadd.s32 $0x3200, v23;
	v10 =	vld [tilespmem:s31+$0xFFFFFFE0];
	v13 =	vclamp.gez.f32 v13, $9.900000000e+01;
	v32 =	vmul.f32 v33, v20  }
0x53: {  	v41 =	vadd.s32 v9, v6;
	v18 =	vld [tilespmem:s31+$0x0];
	v20 =	vmul.f32 v36, v14;
	v21 =	vclamp.gez.f32 v21, $9.900000000e+01  }
0x54: {  	v45 =	vadd.s32 $0x3200, v22;
	v19 =	vld [tilespmem:s20+$0x0];
	v23 =	vtrunc.f32 v13;
	v27 =	vmul.f32 v27, v11  }
0x55: {  	v0 =	vadd.s32 v0, v6;
	v12 =	vld [tilespmem:s31+$0xFFFFFFF0];
	v23 =	vcvt.f32.s32 v23;
	v21 =	vtrunc.f32 v21  }
0x56: {  	v2 =	vadd.s32 v2, v6;
	v9 =	vld [tilespmem:s20+$0xFFFFFFD0];
	v33 =	vmul.f32 v34, v17;
	v21 =	vcvt.f32.s32 v21  }
0x57: {  	v3 =	vadd.s32 $0x3200, v3;
	v13 =	vld [tilespmem:s20+$0xFFFFFFF0];
	v28 =	vmul.f32 $1.666666600e+01, v7;
	v58 =	vmul.f32 $1.666666600e+01, v8  }
0x58: {  	v1 =	vadd.s32 v1, v6;
	v11 =	vld [tilespmem:s20+$0xFFFFFFE0];
	[tilespmem:$0x1FFC0] =	vst v7;
	v22 =	vmul.f32 v38, v16;
	v59 =	vmul.f32 $1.666666600e+01, v10  }
0x59: {  	v52 =	vmul.f32 $1.666666600e+01, v18;
	v54 =	vmul.f32 $1.666666600e+01, v19;
	v23 =	vadd.s32 v23, v6;
	v17 =	vld [tilespmem:s31+$0x10];
	[tilespmem:$0x1FFD0] =	vst v8  }
0x5a: {  	v48 =	vmul.f32 $1.666666600e+01, v12;
	v57 =	vadd.s32 v21, v6;
	v14 =	vld [tilespmem:s20+$0x10];
	v21 =	vmul.f32 v24, v15  }
0x5b: {  	v24 =	vadd.f32 $5.000000000e+01, v28;
	v15 =	vld [tilespmem:s31+$0x20];
	[tilespmem:$0x1FFE0] =	vst v9;
	v28 =	vmul.f32 $1.666666600e+01, v9;
	v36 =	vadd.f32 $5.000000000e+01, v58  }
0x5c: {  	v38 =	vadd.f32 $5.000000000e+01, v59;
	v52 =	vadd.f32 $5.000000000e+01, v52;
	v16 =	vld [tilespmem:s20+$0x20];
	v51 =	vmul.f32 $1.666666600e+01, v13  }
0x5d: {  	v48 =	vadd.f32 $5.000000000e+01, v48;
	v40 =	vld.idx.msk [tilespmem:v40+s4+$0x0], $0xffff;
	v47 =	vmul.f32 $1.666666600e+01, v11;
	v58 =	vclamp.gez.f32 v24, $9.900000000e+01  }
0x5e: {  	v49 =	vadd.s32 $0x3200, v23;
	v4 =	vld.idx.msk [tilespmem:v4+s4+$0x0], $0xffff;
	v36 =	vclamp.gez.f32 v36, $9.900000000e+01;
	v38 =	vclamp.gez.f32 v38, $9.900000000e+01  }
0x5f: {  	v54 =	vadd.f32 $5.000000000e+01, v54;
	v5 =	vld.idx.msk [tilespmem:v5+s4+$0x0], $0xffff;
	v52 =	vclamp.gez.f32 v52, $9.900000000e+01;
	v48 =	vclamp.gez.f32 v48, $9.900000000e+01  }
0x60: {  	v34 =	vadd.s32 $0x3200, v57;
	v42 =	vld.idx.msk [tilespmem:v42+s4+$0x0], $0xffff;
	v36 =	vtrunc.f32 v36;
	v38 =	vtrunc.f32 v38  }
0x61: {  	v51 =	vadd.f32 $5.000000000e+01, v51;
	v50 =	vld.idx.msk [tilespmem:v23+s4+$0x0], $0xffff;
	v55 =	vmul.f32 $1.666666600e+01, v17;
	v48 =	vtrunc.f32 v48  }
0x62: {  	v23 =	vld [tilespmem:s31+$0xFFFFFFC0];
	v47 =	vadd.f32 $5.000000000e+01, v47;
	v36 =	vcvt.f32.s32 v36;
	v56 =	vmul.f32 $1.666666600e+01, v14  }
0x63: {  	v28 =	vadd.f32 $5.000000000e+01, v28;
	v53 =	vld.idx.msk [tilespmem:v57+s4+$0x0], $0xffff;
	v57 =	vmul.f32 $1.666666600e+01, v15;
	v51 =	vclamp.gez.f32 v51, $9.900000000e+01  }
0x64: {  	v3 =	vld.idx.msk [tilespmem:v3+s4+$0x0], $0xffff;
	v60 =	vmul.f32 $1.666666600e+01, v16;
	v47 =	vclamp.gez.f32 v47, $9.900000000e+01;
	v40 =	vadd.f32 v40, v27  }
0x65: {  	v27 =	vld.idx.msk [tilespmem:v1+s4+$0x0], $0xffff;
	v1 =	vadd.s32 $0x3200, v1;
	v46 =	vtrunc.f32 v51;
	v32 =	vadd.f32 v42, v32  }
0x66: {  	s23 =	simm.s32 $0xE440;
	v24 =	vld.idx.msk [tilespmem:v37+s4+$0x0], $0xffff;
	v63 =	vadd.f32 $5.000000000e+01, v57;
	v57 =	vclamp.gez.f32 v28, $9.900000000e+01;
	v47 =	vtrunc.f32 v47  }
0x67: {  	[tilespmem:s23+$0x30] =	vst v31;
	v49 =	vld.idx.msk [tilespmem:v49+s4+$0x0], $0xffff;
	v61 =	vadd.f32 $5.000000000e+01, v56;
	v59 =	vtrunc.f32 v57;
	v25 =	vmul.f32 v50, v25  }
0x68: {  	v7 =	vld [tilespmem:$0x1FFF0];
	v50 =	vadd.f32 $5.000000000e+01, v55;
	v62 =	vmul.f32 $1.666666600e+01, v23;
	v55 =	vadd.f32 $5.000000000e+01, v60  }
0x69: {  	v34 =	vld.idx.msk [tilespmem:v34+s4+$0x0], $0xffff;
	v37 =	vclamp.gez.f32 v63, $9.900000000e+01;
	v60 =	vadd.f32 v4, v26;
	v4 =	vtrunc.f32 v58  }
0x6a: {  	v26 =	vld.idx.msk [tilespmem:v39+s4+$0x0], $0xffff;
	v39 =	vadd.s32 $0x3200, v39;
	v35 =	vmul.f32 v53, v35;
	v53 =	vclamp.gez.f32 v61, $9.900000000e+01  }
0x6b: {  	v57 =	vld.idx.msk [tilespmem:v43+s4+$0x0], $0xffff;
	v61 =	vadd.f32 v5, v29;
	v37 =	vtrunc.f32 v37;
	v4 =	vcvt.f32.s32 v4  }
0x6c: {  	v58 =	vld.idx.msk [tilespmem:v44+s4+$0x0], $0xffff;
	v28 =	vadd.f32 $5.000000000e+01, v62;
	v49 =	vadd.f32 v49, v25;
	v50 =	vclamp.gez.f32 v50, $9.900000000e+01  }
0x6d: {  	v25 =	vld.idx.msk [tilespmem:v0+s4+$0x0], $0xffff;
	v0 =	vadd.s32 $0x3200, v0;
	v62 =	vtrunc.f32 v52;
	v44 =	vtrunc.f32 v53  }
0x6e: {  	v29 =	vld.idx.msk [tilespmem:v41+s4+$0x0], $0xffff;
	v37 =	vcvt.f32.s32 v37;
	v34 =	vadd.f32 v34, v35;
	v35 =	vclamp.gez.f32 v54, $9.900000000e+01  }
0x6f: {  	v63 =	vtrunc.f32 v50;
	v50 =	vld.idx.msk [tilespmem:v30+s4+$0x0], $0xffff;
	v30 =	vadd.f32 v3, v33;
	v56 =	vclamp.gez.f32 v28, $9.900000000e+01  }
0x70: {  	v3 =	vcvt.f32.s32 v59;
	v28 =	vld.idx.msk [tilespmem:v2+s4+$0x0], $0xffff;
	v2 =	vadd.s32 $0x3200, v2;
	v54 =	vtrunc.f32 v56  }
0x71: {  	v41 =	vadd.s32 $0x3200, v41;
	v56 =	vclamp.gez.f32 v55, $9.900000000e+01;
	v55 =	vld.idx.msk [tilespmem:v45+s4+$0x0], $0xffff;
	v45 =	vcvt.f32.s32 v54  }
0x72: {  	v59 =	vcvt.f32.s32 v48;
	v43 =	vtrunc.f32 v35;
	v35 =	vld.idx.msk [tilespmem:v39+s4+$0x0], $0xffff;
	v3 =	vadd.s32 v3, v6  }
0x73: {  	s21 =	simm.s32 $0xE4C0;
	v53 =	vtrunc.f32 v56;
	v56 =	vcvt.f32.s32 v38;
	v51 =	vld.idx.msk [tilespmem:v0+s4+$0x0], $0xffff;
	v5 =	vadd.s32 v45, v6  }
0x74: {  	v62 =	vcvt.f32.s32 v62;
	[tilespmem:s21+$0x30] =	vst v49;
	v49 =	vcvt.f32.s32 v44;
	v45 =	vld.idx.msk [tilespmem:v1+s4+$0x0], $0xffff;
	v1 =	vadd.s32 v36, v6  }
0x75: {  	s22 =	simm.s32 $0x124C0;
	v33 =	vadd.s32 v56, v6;
	v52 =	vld.idx.msk [tilespmem:v2+s4+$0x0], $0xffff;
	v2 =	vadd.s32 v4, v6;
	v4 =	vcvt.f32.s32 v47  }
0x76: {  	v48 =	vcvt.f32.s32 v63;
	[tilespmem:s22+$0x30] =	vst v34;
	v31 =	vadd.s32 v59, v6;
	v0 =	vcvt.f32.s32 v46;
	v36 =	vld.idx.msk [tilespmem:v41+s4+$0x0], $0xffff  }
0x77: {  	v63 =	vadd.s32 v62, v6;
	v49 =	vadd.s32 v49, v6;
	v34 =	vadd.s32 v4, v6;
	v4 =	vld.idx.msk [tilespmem:v3+s4+$0x0], $0xffff  }
0x78: {  	s24 =	simm.s32 $0x12440;
	[tilespmem:s23+$0xFFFFFFD0] =	vst v61;
	v42 =	vadd.s32 $0x3200, v3;
	v38 =	vcvt.f32.s32 v53;
	v0 =	vadd.s32 v0, v6;
	v54 =	vld.idx.msk [tilespmem:v5+s4+$0x0], $0xffff  }
0x79: {  	[tilespmem:s24+$0xFFFFFFD0] =	vst v32;
	v39 =	vadd.s32 $0x3200, v31;
	v53 =	vadd.s32 v48, v6;
	v32 =	vadd.s32 $0x3200, v49;
	v56 =	vld.idx.msk [tilespmem:v1+s4+$0x0], $0xffff  }
0x7a: {  	v47 =	vcvt.f32.s32 v43;
	v46 =	vadd.s32 $0x3200, v5;
	v48 =	vadd.s32 v38, v6;
	v5 =	vld.idx.msk [tilespmem:v33+s4+$0x0], $0xffff  }
0x7b: {  	[tilespmem:s24+$0x30] =	vst v7;
	v43 =	vadd.s32 $0x3200, v1;
	v41 =	vadd.s32 $0x3200, v33;
	v44 =	vadd.s32 $0x3200, v2;
	v1 =	vld.idx.msk [tilespmem:v31+s4+$0x0], $0xffff  }
0x7c: {  	[tilespmem:s23+$0xFFFFFFE0] =	vst v30;
	v38 =	vadd.s32 $0x3200, v0;
	v30 =	vadd.s32 $0x3200, v48;
	v62 =	vadd.s32 v47, v6;
	v59 =	vld.idx.msk [tilespmem:v2+s4+$0x0], $0xffff  }
0x7d: {  	[tilespmem:s23+$0xFFFFFFC0] =	vst v40;
	v47 =	vadd.s32 v37, v6;
	v37 =	vadd.s32 $0x3200, v63;
	v40 =	vadd.s32 $0x3200, v34;
	v2 =	vld.idx.msk [tilespmem:v0+s4+$0x0], $0xffff  }
0x7e: {  	s25 =	simm.s32 $0x8;
	s26 =	simm.s32 $0x6540;
	[tilespmem:s24+$0xFFFFFFC0] =	vst v60;
	v33 =	vadd.s32 $0x3200, v53;
	v31 =	vadd.s32 $0x3200, v47;
	v3 =	vld.idx.msk [tilespmem:v34+s4+$0x0], $0xffff;
	v34 =	vadd.s32 $0x3200, v62  }
.LBB2_3:
0x7f: {  	v7 =	vld [tilespmem:$0x1FFC0];
	_ =	sdelay $0x4  }
0x80: {  	v59 =	vmul.f32 v59, v7;
	v7 =	vld [tilespmem:$0x1FFD0];
	_ =	sdelay $0x1  }
0x81: {  	v0 =	vld [tilespmem:s26+$0x30];
	_ =	sdelay $0x1  }
0x82: {  	v9 =	vld [tilespmem:s26+$0xFFFFFFD0];
	v61 =	vmul.f32 v54, v23;
	v21 =	vadd.f32 v58, v21  }
0x83: {  	s20 =	sadd.s32 $0x80, s20;
	v54 =	vmul.f32 v5, v10;
	v5 =	vadd.f32 v55, v22;
	v60 =	vmul.f32 v56, v7;
	v7 =	vld [tilespmem:$0x1FFE0]  }
0x84: {  	v8 =	vld [tilespmem:s20+$0xFFFFFFC0];
	v3 =	vmul.f32 v3, v11;
	[tilespmem:s23+$0xFFFFFFF0] =	vst v21  }
0x85: {  	v20 =	vadd.f32 v57, v20;
	v57 =	vld [tilespmem:s20+$0x30];
	[tilespmem:s24+$0xFFFFFFF0] =	vst v5;
	v5 =	vmul.f32 $1.666666600e+01, v0  }
0x86: {  	[tilespmem:$0x1FF30] =	vst v3;
	v3 =	vld [tilespmem:$0x1FF70]  }
0x87: {  	v23 =	vld [tilespmem:s26+$0xFFFFFFC0];
	v5 =	vadd.f32 $5.000000000e+01, v5  }
0x88: {  	[tilespmem:s24+$0xFFFFFFE0] =	vst v20;
	v56 =	vmul.f32 v4, v7;
	v7 =	vld [tilespmem:$0x1FF60]  }
0x89: {  	v2 =	vmul.f32 v2, v13;
	v41 =	vld.idx.msk [tilespmem:v41+s4+$0x0], $0xffff;
	v5 =	vclamp.gez.f32 v5, $9.900000000e+01;
	v4 =	vmov v19  }
0x8a: {  	v1 =	vmul.f32 v1, v12;
	v5 =	vtrunc.f32 v5;
	[tilespmem:$0x1FF70] =	vst v4;
	v4 =	vld [tilespmem:$0x1FF80]  }
0x8b: {  	[tilespmem:$0x1FF50] =	vst v2;
	v12 =	vld [tilespmem:s26+$0xFFFFFFF0];
	v11 =	vmul.f32 v25, v3;
	v3 =	vmov v17;
	v5 =	vcvt.f32.s32 v5  }
0x8c: {  	v13 =	vld [tilespmem:s20+$0xFFFFFFF0];
	[tilespmem:$0x1FF80] =	vst v3;
	v3 =	vmul.f32 $1.666666600e+01, v57  }
0x8d: {  	v2 =	vadd.f32 v51, v11;
	v11 =	vld [tilespmem:s20+$0xFFFFFFE0];
	v5 =	vadd.s32 v5, v6;
	v10 =	vmul.f32 v24, v7;
	v7 =	vmovc v18  }
0x8e: {  	v3 =	vadd.f32 $5.000000000e+01, v3;
	v18 =	vld [tilespmem:s20+$0xFFFFFFD0]  }
0x8f: {  	[tilespmem:$0x1FF40] =	vst v1;
	v4 =	vmul.f32 v28, v4;
	v1 =	vadd.f32 v50, v10;
	v10 =	vld [tilespmem:s26+$0xFFFFFFE0]  }
0x90: {  	v22 =	vmul.f32 $1.666666600e+01, v23;
	v3 =	vclamp.gez.f32 v3, $9.900000000e+01;
	[tilespmem:$0x1FF60] =	vst v7;
	v7 =	vmov v16;
	v16 =	vld [tilespmem:s20+$0x20]  }
0x91: {  	v3 =	vtrunc.f32 v3;
	[tilespmem:s23+$0x0] =	vst v1;
	v1 =	vadd.f32 v52, v4;
	v4 =	vld [tilespmem:$0x1FF90]  }
0x92: {  	v22 =	vadd.f32 $5.000000000e+01, v22;
	v3 =	vcvt.f32.s32 v3;
	v52 =	vadd.s32 $0x3200, v5;
	v5 =	vld.idx.msk [tilespmem:v5+s4+$0x0], $0xffff  }
0x93: {  	v25 =	vmul.f32 $1.666666600e+01, v11;
	[tilespmem:s24+$0x0] =	vst v2;
	v2 =	vld [tilespmem:$0x1FFA0]  }
0x94: {  	v22 =	vclamp.gez.f32 v22, $9.900000000e+01;
	v3 =	vadd.s32 v3, v6;
	[tilespmem:s23+$0x10] =	vst v1;
	v1 =	vld [tilespmem:$0x1FFB0]  }
0x95: {  	v17 =	vmovc v14;
	v14 =	vmul.f32 $1.666666600e+01, v8;
	v22 =	vtrunc.f32 v22;
	v55 =	vadd.f32 $5.000000000e+01, v25;
	v19 =	vld [tilespmem:s20+$0x0]  }
0x96: {  	[tilespmem:$0x1FFC0] =	vst v8;
	v8 =	vmov v15;
	v15 =	vmul.f32 $1.666666600e+01, v9;
	v22 =	vcvt.f32.s32 v22;
	v25 =	vld.idx.msk [tilespmem:v62+s4+$0x0], $0xffff  }
0x97: {  	v55 =	vclamp.gez.f32 v55, $9.900000000e+01;
	[tilespmem:$0x1FF90] =	vst v17;
	v20 =	vadd.s32 $0x3200, v3;
	v17 =	vld [tilespmem:s26+$0x10];
	v24 =	vmul.f32 $1.666666600e+01, v10  }
0x98: {  	v21 =	vmul.f32 $1.666666600e+01, v16;
	v4 =	vmul.f32 v27, v4;
	v27 =	vadd.f32 $5.000000000e+01, v15;
	v15 =	vld [tilespmem:s26+$0x20]  }
0x99: {  	v3 =	vld.idx.msk [tilespmem:v3+s4+$0x0], $0xffff;
	v0 =	vmul.f32 v5, v0;
	v2 =	vmul.f32 v26, v2;
	v26 =	vadd.f32 $5.000000000e+01, v14  }
0x9a: {  	v52 =	vld.idx.msk [tilespmem:v52+s4+$0x0], $0xffff;
	v14 =	vmul.f32 $1.666666600e+01, v18;
	v21 =	vadd.f32 $5.000000000e+01, v21;
	v1 =	vmul.f32 v29, v1  }
0x9b: {  	[tilespmem:$0x1FFE0] =	vst v18;
	v18 =	vld [tilespmem:s26+$0x0];
	v4 =	vadd.f32 v45, v4;
	v29 =	vmul.f32 $1.666666600e+01, v12;
	v45 =	vmul.f32 $1.666666600e+01, v13  }
0x9c: {  	[tilespmem:$0x1FFA0] =	vst v8;
	v20 =	vld.idx.msk [tilespmem:v20+s4+$0x0], $0xffff;
	v51 =	vmul.f32 $1.666666600e+01, v19;
	v8 =	vclamp.gez.f32 v27, $9.900000000e+01;
	v28 =	vadd.f32 $5.000000000e+01, v14  }
0x9d: {  	[tilespmem:$0x1FFB0] =	vst v7;
	v14 =	vld [tilespmem:s20+$0x10];
	v58 =	vmul.f32 $1.666666600e+01, v17;
	v7 =	vclamp.gez.f32 v26, $9.900000000e+01;
	v2 =	vadd.f32 v35, v2  }
0x9e: {  	v26 =	vld.idx.msk [tilespmem:v47+s4+$0x0], $0xffff;
	v21 =	vclamp.gez.f32 v21, $9.900000000e+01;
	v8 =	vtrunc.f32 v8;
	[tilespmem:s24+$0x10] =	vst v4;
	v4 =	vadd.f32 $5.000000000e+01, v24  }
0x9f: {  	v24 =	vld.idx.msk [tilespmem:v63+s4+$0x0], $0xffff;
	v29 =	vadd.f32 $5.000000000e+01, v29;
	v45 =	vadd.f32 $5.000000000e+01, v45;
	v7 =	vtrunc.f32 v7  }
0xa0: {  	[tilespmem:$0x1FFD0] =	vst v9;
	v51 =	vadd.f32 $5.000000000e+01, v51;
	v21 =	vtrunc.f32 v21;
	v9 =	vclamp.gez.f32 v28, $9.900000000e+01;
	v28 =	vld.idx.msk [tilespmem:v53+s4+$0x0], $0xffff  }
0xa1: {  	v1 =	vadd.f32 v36, v1;
	v8 =	vcvt.f32.s32 v8;
	v62 =	vmul.f32 $1.666666600e+01, v15;
	v27 =	vld.idx.msk [tilespmem:v49+s4+$0x0], $0xffff  }
0xa2: {  	v58 =	vadd.f32 $5.000000000e+01, v58;
	v3 =	vmul.f32 v3, v57;
	v57 =	vld.idx.msk [tilespmem:v40+s4+$0x0], $0xffff;
	v7 =	vcvt.f32.s32 v7  }
0xa3: {  	v0 =	vadd.f32 v52, v0;
	v21 =	vcvt.f32.s32 v21;
	v53 =	vclamp.gez.f32 v29, $9.900000000e+01;
	v29 =	vld.idx.msk [tilespmem:v48+s4+$0x0], $0xffff;
	[tilespmem:s23+$0x20] =	vst v2  }
0xa4: {  	v52 =	vld.idx.msk [tilespmem:v33+s4+$0x0], $0xffff;
	v50 =	vmul.f32 $1.666666600e+01, v18;
	v4 =	vclamp.gez.f32 v4, $9.900000000e+01;
	s23 =	smov.u32 s21;
	s21 =	sadd.s32 $0x80, s21;
	[tilespmem:s24+$0x20] =	vst v1;
	v3 =	vadd.f32 v20, v3  }
0xa5: {  	v45 =	vclamp.gez.f32 v45, $9.900000000e+01;
	v2 =	vclamp.gez.f32 v51, $9.900000000e+01;
	s24 =	smov.u32 s22;
	[tilespmem:s21+$0x30] =	vst v0;
	v0 =	vld.idx.msk [tilespmem:v43+s4+$0x0], $0xffff;
	s22 =	sadd.s32 $0x80, s22  }
0xa6: {  	v9 =	vtrunc.f32 v9;
	v49 =	vclamp.gez.f32 v58, $9.900000000e+01;
	v50 =	vadd.f32 $5.000000000e+01, v50;
	[tilespmem:s22+$0x30] =	vst v3;
	v3 =	vld.idx.msk [tilespmem:v42+s4+$0x0], $0xffff  }
0xa7: {  	v20 =	vld.idx.msk [tilespmem:v44+s4+$0x0], $0xffff;
	v4 =	vtrunc.f32 v4;
	v43 =	vtrunc.f32 v53  }
0xa8: {  	v40 =	vtrunc.f32 v45;
	v5 =	vclamp.gez.f32 v50, $9.900000000e+01;
	v50 =	vld.idx.msk [tilespmem:v46+s4+$0x0], $0xffff  }
0xa9: {  	v62 =	vadd.f32 $5.000000000e+01, v62;
	v58 =	vld.idx.msk [tilespmem:v39+s4+$0x0], $0xffff;
	v9 =	vcvt.f32.s32 v9;
	v63 =	vmul.f32 $1.666666600e+01, v14  }
0xaa: {  	v45 =	vld.idx.msk [tilespmem:v32+s4+$0x0], $0xffff;
	v48 =	vadd.s32 v21, v6;
	v4 =	vcvt.f32.s32 v4;
	v0 =	vadd.f32 v0, v60  }
0xab: {  	v21 =	vld [tilespmem:$0x1FF40];
	v51 =	vclamp.gez.f32 v62, $9.900000000e+01;
	v63 =	vadd.f32 $5.000000000e+01, v63;
	v3 =	vadd.f32 v3, v56  }
0xac: {  	v35 =	vld.idx.msk [tilespmem:v31+s4+$0x0], $0xffff;
	v42 =	vtrunc.f32 v55;
	v9 =	vadd.s32 v9, v6;
	[tilespmem:s23+$0xFFFFFFD0] =	vst v0;
	v0 =	vadd.f32 v41, v54  }
0xad: {  	v55 =	vld.idx.msk [tilespmem:v38+s4+$0x0], $0xffff;
	v31 =	vadd.s32 v4, v6;
	v1 =	vclamp.gez.f32 v63, $9.900000000e+01;
	v36 =	vadd.f32 v50, v61;
	[tilespmem:s24+$0xFFFFFFD0] =	vst v3  }
0xae: {  	v20 =	vadd.f32 v20, v59;
	v63 =	vtrunc.f32 v51;
	v51 =	vld.idx.msk [tilespmem:v34+s4+$0x0], $0xffff;
	v3 =	vadd.s32 v7, v6;
	[tilespmem:s23+$0xFFFFFFE0] =	vst v0  }
0xaf: {  	v5 =	vtrunc.f32 v5;
	v4 =	vcvt.f32.s32 v63;
	v50 =	vld.idx.msk [tilespmem:v37+s4+$0x0], $0xffff;
	v0 =	vadd.s32 v8, v6;
	[tilespmem:s23+$0xFFFFFFC0] =	vst v36  }
0xb0: {  	v5 =	vcvt.f32.s32 v5;
	v7 =	vcvt.f32.s32 v42;
	v36 =	vld.idx.msk [tilespmem:v30+s4+$0x0], $0xffff;
	[tilespmem:s24+$0xFFFFFFC0] =	vst v20;
	v20 =	vadd.s32 v22, v6  }
0xb1: {  	v1 =	vtrunc.f32 v1;
	v47 =	vadd.s32 v4, v6;
	v8 =	vcvt.f32.s32 v40;
	v4 =	vld.idx.msk [tilespmem:v9+s4+$0x0], $0xffff  }
0xb2: {  	v63 =	vadd.s32 v5, v6;
	v5 =	vld.idx.msk [tilespmem:v31+s4+$0x0], $0xffff;
	v22 =	vcvt.f32.s32 v43;
	v7 =	vadd.s32 v7, v6  }
0xb3: {  	v2 =	vtrunc.f32 v2;
	v1 =	vcvt.f32.s32 v1;
	v8 =	vadd.s32 v8, v6;
	v59 =	vld.idx.msk [tilespmem:v3+s4+$0x0], $0xffff  }
0xb4: {  	s25 =	sadd.s32 $0x8, s25;
	v2 =	vcvt.f32.s32 v2;
	v62 =	vtrunc.f32 v49;
	v22 =	vadd.s32 v22, v6;
	v56 =	vld.idx.msk [tilespmem:v0+s4+$0x0], $0xffff  }
0xb5: {  	p0 =	slt.u32 s25, $0x3F8;
	v41 =	vadd.s32 $0x3200, v31;
	v37 =	vadd.s32 $0x3200, v63;
	v49 =	vadd.s32 v1, v6;
	v54 =	vld.idx.msk [tilespmem:v20+s4+$0x0], $0xffff  }
.Ltmp0:
0xb6: {  	v42 =	vadd.s32 $0x3200, v9;
	v30 =	vcvt.f32.s32 v62;
	v46 =	vadd.s32 $0x3200, v20;
	v20 =	vld [tilespmem:$0x1FF30];
	(pc) =	sbr.rel @p0 .LBB2_3-.Ltmp0, $4  }
0xb7: {  	v62 =	vadd.s32 v2, v6;
	v44 =	vadd.s32 $0x3200, v3;
	v32 =	vadd.s32 $0x3200, v49;
	v3 =	vld.idx.msk [tilespmem:v7+s4+$0x0], $0xffff  }
0xb8: {  	v31 =	vadd.s32 $0x3200, v47;
	v43 =	vadd.s32 $0x3200, v0;
	v34 =	vadd.s32 $0x3200, v62;
	v2 =	vld.idx.msk [tilespmem:v8+s4+$0x0], $0xffff  }
0xb9: {  	v53 =	vadd.s32 v30, v6;
	v40 =	vadd.s32 $0x3200, v7;
	v38 =	vadd.s32 $0x3200, v8;
	v1 =	vld.idx.msk [tilespmem:v22+s4+$0x0], $0xffff  }
0xba: {  	s26 =	sadd.s32 $0x80, s26;
	v30 =	vadd.s32 $0x3200, v48;
	v33 =	vadd.s32 $0x3200, v53;
	v39 =	vadd.s32 $0x3200, v22;
	v22 =	vld [tilespmem:$0x1FF50]  }
0xbb: {  	_ =	sdelay $0x3  }
0xbc: {  	v6 =	vld.idx.msk [tilespmem:v62+s4+$0x0], $0xffff  }
0xbd: {  	v62 =	vld [tilespmem:$0x1FF60];
	_ =	sdelay $0x1  }
0xbe: {  	v0 =	vld.idx.msk [tilespmem:v63+s4+$0x0], $0xffff;
	v7 =	vadd.f32 v57, v20  }
0xbf: {  	v8 =	vld.idx.msk [tilespmem:v53+s4+$0x0], $0xffff  }
0xc0: {  	v9 =	vadd.f32 v58, v21;
	v21 =	vld.idx.msk [tilespmem:v49+s4+$0x0], $0xffff;
	[tilespmem:s24+$0xFFFFFFE0] =	vst v7  }
0xc1: {  	v20 =	vmul.f32 v24, v62;
	v24 =	vld [tilespmem:$0x1FF70]  }
0xc2: {  	v60 =	vld.idx.msk [tilespmem:v44+s4+$0x0], $0xffff  }
0xc3: {  	v61 =	vld.idx.msk [tilespmem:v43+s4+$0x0], $0xffff  }
0xc4: {  	v63 =	vadd.f32 v55, v22;
	v55 =	vld.idx.msk [tilespmem:v46+s4+$0x0], $0xffff  }
0xc5: {  	v46 =	vld.idx.msk [tilespmem:v39+s4+$0x0], $0xffff;
	[tilespmem:s23+$0xFFFFFFF0] =	vst v9  }
0xc6: {  	v49 =	vadd.f32 v50, v20;
	v50 =	vld [tilespmem:$0x1FF80];
	v22 =	vmul.f32 v25, v24  }
0xc7: {  	[tilespmem:s24+$0xFFFFFFF0] =	vst v63;
	v63 =	vld.idx.msk [tilespmem:v42+s4+$0x0], $0xffff  }
0xc8: {  	v53 =	vld [tilespmem:$0x1FF90];
	v51 =	vadd.f32 v51, v22  }
0xc9: {  	[tilespmem:s23+$0x0] =	vst v49;
	v49 =	vld.idx.msk [tilespmem:v37+s4+$0x0], $0xffff  }
0xca: {  	v58 =	vld [tilespmem:$0x1FFA0];
	[tilespmem:s24+$0x0] =	vst v51  }
0xcb: {  	v7 =	vld [tilespmem:$0x1FFB0]  }
0xcc: {  	v24 =	vld.idx.msk [tilespmem:v47+s4+$0x0], $0xffff;
	v20 =	vmul.f32 v28, v50  }
0xcd: {  	v25 =	vld.idx.msk [tilespmem:v48+s4+$0x0], $0xffff  }
0xce: {  	v48 =	vld.idx.msk [tilespmem:v38+s4+$0x0], $0xffff;
	v22 =	vmul.f32 v27, v53;
	v57 =	vadd.f32 v52, v20  }
0xcf: {  	v23 =	vmul.f32 v54, v23;
	v50 =	vld.idx.msk [tilespmem:v34+s4+$0x0], $0xffff;
	v20 =	vmul.f32 v26, v58  }
0xd0: {  	v51 =	vld.idx.msk [tilespmem:v33+s4+$0x0], $0xffff;
	v22 =	vadd.f32 v45, v22;
	[tilespmem:s23+$0x10] =	vst v57;
	v7 =	vmul.f32 v29, v7  }
0xd1: {  	v1 =	vmul.f32 v1, v12;
	v0 =	vmul.f32 v0, v18;
	v62 =	vadd.f32 v35, v20;
	v35 =	vld [tilespmem:$0x1FFC0]  }
0xd2: {  	v42 =	vadd.f32 v55, v23;
	[tilespmem:s24+$0x10] =	vst v22;
	v7 =	vadd.f32 v36, v7;
	v36 =	vld.idx.msk [tilespmem:v41+s4+$0x0], $0xffff  }
0xd3: {  	v1 =	vadd.f32 v46, v1;
	v41 =	vld [tilespmem:$0x1FFD0];
	[tilespmem:s23+$0x20] =	vst v62  }
0xd4: {  	v2 =	vmul.f32 v2, v13;
	v0 =	vadd.f32 v49, v0;
	v44 =	vld [tilespmem:$0x1FFE0];
	[tilespmem:s21+$0xFFFFFFC0] =	vst v42  }
0xd5: {  	v54 =	vld.idx.msk [tilespmem:v31+s4+$0x0], $0xffff;
	v53 =	vmul.f32 v6, v19;
	[tilespmem:s21+$0xFFFFFFF0] =	vst v1  }
0xd6: {  	v55 =	vmul.f32 v8, v17;
	v2 =	vadd.f32 v48, v2;
	v29 =	vmul.f32 v59, v35;
	[tilespmem:s21+$0x0] =	vst v0  }
0xd7: {  	v43 =	vld.idx.msk [tilespmem:v40+s4+$0x0], $0xffff;
	v57 =	vadd.f32 v50, v53;
	[tilespmem:s24+$0x20] =	vst v7  }
0xd8: {  	v59 =	vadd.f32 v51, v55;
	v45 =	vadd.f32 v60, v29;
	[tilespmem:s22+$0xFFFFFFF0] =	vst v2;
	v60 =	vmul.f32 v24, v15  }
0xd9: {  	v5 =	vmul.f32 v5, v10;
	[tilespmem:s22+$0x0] =	vst v57  }
0xda: {  	v3 =	vmul.f32 v3, v11;
	v52 =	vld.idx.msk [tilespmem:v32+s4+$0x0], $0xffff;
	[tilespmem:s21+$0x10] =	vst v59;
	v62 =	vadd.f32 v54, v60  }
0xdb: {  	[tilespmem:s22+$0xFFFFFFC0] =	vst v45;
	v35 =	vmul.f32 v56, v41;
	v5 =	vadd.f32 v36, v5;
	v56 =	vld.idx.msk [tilespmem:v30+s4+$0x0], $0xffff  }
0xdc: {  	v3 =	vadd.f32 v43, v3;
	v4 =	vmul.f32 v4, v44;
	[tilespmem:s21+$0x20] =	vst v62  }
0xdd: {  	v58 =	vmul.f32 v21, v14;
	v47 =	vadd.f32 v61, v35;
	[tilespmem:s21+$0xFFFFFFE0] =	vst v5  }
0xde: {  	v61 =	vmul.f32 v25, v16;
	v4 =	vadd.f32 v63, v4;
	[tilespmem:s22+$0xFFFFFFE0] =	vst v3  }
0xdf: {  	v3 =	vadd.f32 v52, v58;
	[tilespmem:s21+$0xFFFFFFD0] =	vst v47  }
0xe0: {  	[tilespmem:s22+$0xFFFFFFD0] =	vst v4;
	v63 =	vadd.f32 v56, v61  }
0xe1: {  	[tilespmem:s22+$0x10] =	vst v3  }
0xe2: {  	s20 =	sadd.s32 s6, s19;
	[tilespmem:s22+$0x20] =	vst v63  }
0xe3: {  	[hbm4b:s20+s11] =	stream.strided.scatter [tilespmem:s15], [sflag:$0x1], $0x4000, s12, s11, $0x38;
	[tilespmem:$0x16400] =	vst v63  }
0xe4: {  	s18 =	sadd.s32 $0x1, s18;
	_ =	swait.ge [sflag:s10], $0x4000  }
0xe5: {  	p0 =	sne.s32 s18, $0x20;
	[sflag:s10] =	ssyncset.done $0x0  }
.Ltmp1:
0xe6: {  	s31 =	sadd.s32 s7, s19;
	[sflag:s10] =	ssyncadd.s32 $0xFFFFC000;
	(pc) =	sbr.rel @p0 .LBB2_2-.Ltmp1, $4  }
0xe7: {  	[hbm4b:s31+s11] =	stream.strided.scatter [tilespmem:s16], [sflag:$0x1], $0x4000, s12, s11, $0x38;
	[tilespmem:$0x16400] =	vst v63  }
0xe8: {  	_ =	swait.ge [sflag:s10], $0x4000  }
0xe9: {  	[sflag:s10] =	ssyncset.done $0x0  }
0xea: {  	[sflag:s10] =	ssyncadd.s32 $0xFFFFC000  }
0xeb: {  	s17 =	sadd.s32 $0x1, s17  }
0xec: {  	p0 =	sne.s32 s17, s9  }
.Ltmp2:
0xed: {  	_ = 	snop;
	(pc) =	sbr.rel @p0 .LBB2_1-.Ltmp2, $1  }
0xee: {  	_ =	sdelay $0x3  }
0xef: {  	_ =	sfence.sel $0x180000  }
0xf0: {  	[bflag:$0x0] =	sbarrier.arrive $0xFFFF  }
0xf1: {  	p0 =	sne.s32 s5, $0x0;
	_ =	strace $0x90000047  }
0xf2: {  	s0 =	sadd.s32 @!p0 $0x100000, s0;
	[bflag:$0x2] =	sbarrier.arrive $0xFFFF  }
0xf3: {  	[sflag:s0] =	ssyncadd.tile.s32 @!p0 $0x1;
	_ =	shalt  }
.Lfunc_end2:
_tile_overlayer_lowered:
.L_overlay_start_2:
0xf4: {  	(tag) =	ssettag $0x2  }
0xf5: {  	s0 =	rddreg [dreg:$0x0];
	s2 =	stileid.u32  }
0xf6: {  	s1 =	rddreg [dreg:$0x1];
	p0 =	sne.s32 s2, $0x0  }
0xf7: {  	s3 =	rddreg [dreg:$0x2];
	[bflag:$0x3] =	sbarrier.arrive $0xFFFF;
	s2 =	simm.s32 @!p0 $0x1C01  }
0xf8: {  	[timem:s3], [sflag:s2] =	dma.local @!p0 [hbm:s0], s1  }
0xf9: {  	s0 =	simm.s32 @!p0 $0x1  }
0xfa: {  	_ =	swait.ge @!p0 [sflag:s0], s1  }
0xfb: {  	s1 =	ssub.s32 @!p0 $0x0, s1;
	[sflag:s0] =	ssyncset.done @!p0 $0x0  }
0xfc: {  	[sflag:s0] =	ssyncadd.s32 @!p0 s1  }
0xfd: {  	[bflag:$0x3] =	sbarrier.arrive $0xFFFF  }
0xfe: {  	_ =	shalt  }

</sc_bundles>
